<compile_context>
chip_gen: v7x
topology: tpu7x:2x2x1
jax: 0.10.2.dev20260603
libtpu: 0.0.44.dev20260713+nightly
codegen_flags: <defaults>
</compile_context>

<pallas_src>
import functools

import jax
import jax.numpy as jnp
from jax import lax
from jax.experimental import pallas as pl
from jax.experimental.pallas import tpu as pltpu
from jax.experimental.pallas import tpu_sc as plsc

_L = 16


def _edge_histograms(idx_flat, n_edges, n_bins):
    info = plsc.get_sparse_core_info()
    nc, ns = info.num_cores, info.num_subcores
    nw = nc * ns
    epw = n_edges // nw

    mesh = plsc.VectorSubcoreMesh(core_axis_name="c", subcore_axis_name="s")

    @functools.partial(
        pl.kernel,
        mesh=mesh,
        compiler_params=pltpu.CompilerParams(needs_layout_passes=False),
        out_type=[
            jax.ShapeDtypeStruct((nw, n_bins), jnp.float32),
            jax.ShapeDtypeStruct((nw, n_bins), jnp.float32),
        ],
        scratch_types=[
            pltpu.VMEM((epw,), jnp.int32),
            pltpu.VMEM((n_bins,), jnp.float32),
            pltpu.VMEM((n_bins,), jnp.float32),
        ],
    )
    def hist_kernel(idx_hbm, out_s, out_d, idx_v, hist_s, hist_d):
        wid = lax.axis_index("s") * nc + lax.axis_index("c")
        ones = jnp.ones((_L,), jnp.float32)
        zeros = jnp.zeros((_L,), jnp.float32)

        def zero_s(i, c):
            hist_s[pl.ds(i * _L, _L)] = zeros
            return c

        def zero_d(i, c):
            hist_d[pl.ds(i * _L, _L)] = zeros
            return c

        lax.fori_loop(0, n_bins // _L, zero_s, 0)
        lax.fori_loop(0, n_bins // _L, zero_d, 0)

        def scatter_row(row, hist):
            pltpu.sync_copy(
                idx_hbm.at[pl.ds(row * n_edges + wid * epw, epw)], idx_v
            )

            def body(i, c):
                iv = idx_v[pl.ds(i * _L, _L)]
                plsc.addupdate_scatter(hist, [iv], ones)
                return c

            lax.fori_loop(0, epw // _L, body, 0)

        scatter_row(0, hist_s)
        scatter_row(1, hist_d)
        pltpu.sync_copy(hist_s, out_s.at[wid])
        pltpu.sync_copy(hist_d, out_d.at[wid])

    return hist_kernel(idx_flat)


def _relu(x):
    return jnp.maximum(x, 0.0)


def _ln(x, g, b):
    m = jnp.mean(x, axis=-1, keepdims=True)
    v = jnp.mean((x - m) ** 2, axis=-1, keepdims=True)
    return (x - m) / jnp.sqrt(v + 1e-5) * g + b


def _mlp(x, g, b, W1, b1, W2, b2):
    h = _ln(x, g, b)
    h = _relu(jnp.dot(h, W1) + b1)
    h = _relu(jnp.dot(h, W2) + b2)
    return h


def _col(x, w):
    return lax.dot_general(x, w, (((1,), (1,)), ((), ())))


_P_VW1, _P_VW2 = 0, 24
_P_HW1, _P_HW2 = 88, 96
_P_MW1, _P_MW2 = 160, 176
_P_OW1, _P_OW2 = 240, 304
_P_AW1, _P_AW2T = 432, 496
_P_ATTLT, _P_ATTRT = 504, 568
_P_MISC = 632
_P_ROWS = 648


def _pack_params(vg, vb, vW1, vb1, vW2, vb2, hg, hb, hW1, hb1,
                 hW2, hb2, mg, mb, mW1, mb1, mW2, mb2, att, oW1, ob1, oW2,
                 ob2, aW1, ab1, aW2, ab2):
    def seg(m, rows):
        return jnp.pad(m, ((0, rows - m.shape[0]), (0, 128 - m.shape[1])))

    def vec(v):
        return jnp.pad(v, (0, 128 - v.shape[0]))

    misc = jnp.stack([
        vec(vg), vec(vb), vec(vb1), vec(vb2),
        vec(hg), vec(hb), vec(hb1), vec(hb2),
        vec(mg), vec(mb), vec(mb1), vec(mb2),
        vec(ob1), vec(ob2), vec(ab1), vec(ab2),
    ])
    return jnp.concatenate([
        seg(vW1, 24), seg(vW2, 64), seg(hW1, 8), seg(hW2, 64),
        seg(mW1, 16), seg(mW2, 64), seg(oW1, 64), seg(oW2, 128),
        seg(aW1, 64), seg(aW2.T, 8),
        seg(att[0, :, :64].T, 64), seg(att[0, :, 64:].T, 64),
        seg(misc, 16),
    ], axis=0)


def _tc_body(vf_ref, hf_ref, w_ref, ds_ref, dd_ref, ms_ref, wp_ref,
             out1_ref, tv_scr, thw_scr):
    row = lambda i, k: wp_ref[_P_MISC + i:_P_MISC + i + 1, 0:k]
    blk = vf_ref.shape[0]
    cpad = out1_ref.shape[-1]
    pid = pl.program_id(0)
    last = pl.num_programs(0) - 1

    v_emb = _mlp(vf_ref[...], row(0, 19), row(1, 19),
                 wp_ref[_P_VW1:_P_VW1 + 19, 0:64], row(2, 64),
                 wp_ref[_P_VW2:_P_VW2 + 64, 0:64], row(3, 64))
    he = _mlp(hf_ref[...], row(4, 5), row(5, 5),
              wp_ref[_P_HW1:_P_HW1 + 5, 0:64], row(6, 64),
              wp_ref[_P_HW2:_P_HW2 + 64, 0:64], row(7, 64))
    oW1 = wp_ref[_P_OW1:_P_OW1 + 64, 0:128]
    oW2 = wp_ref[_P_OW2:_P_OW2 + 128, 0:64]
    ob1, ob2 = row(12, 128), row(13, 64)
    he2 = jnp.dot(_relu(jnp.dot(he, oW1) + ob1), oW2) + ob2
    vf2 = jnp.dot(_relu(jnp.dot(v_emb, oW1) + ob1), oW2) + ob2
    milp = _mlp(ms_ref[...], row(8, 10), row(9, 10),
                wp_ref[_P_MW1:_P_MW1 + 10, 0:64], row(10, 64),
                wp_ref[_P_MW2:_P_MW2 + 64, 0:64], row(11, 64))
    vf2 = vf2 * milp + v_emb
    h = _relu(jnp.dot(vf2, wp_ref[_P_AW1:_P_AW1 + 64, 0:64]) + row(14, 64))
    hpad = jnp.concatenate(
        [h, jnp.zeros((cpad - blk, h.shape[1]), jnp.float32)], axis=0)
    out = lax.dot_general(wp_ref[_P_AW2T:_P_AW2T + 1, 0:64],
                          hpad, (((1,), (1,)), ((), ()))) + row(15, 1)[0, 0]

    aLt = jnp.sum(wp_ref[_P_ATTLT:_P_ATTLT + 64, 0:8], axis=1, keepdims=True)
    aRt = jnp.sum(wp_ref[_P_ATTRT:_P_ATTRT + 64, 0:8], axis=1, keepdims=True)
    t_v = jnp.dot(v_emb, aLt + aRt)
    t_h = jnp.dot(he, aRt) + jnp.dot(he2, aLt)
    tv_scr[pl.ds(pid * blk, blk), :] = t_v
    thw_scr[pl.ds(pid * blk, blk), :] = t_h + w_ref[...] + 1.0

    @pl.when(pid != last)
    def _store():
        out1_ref[...] = out[None]

    @pl.when(pid == last)
    def _store_with_sides():
        degs = jnp.sum(ds_ref[...], axis=0, keepdims=True)
        degd = jnp.sum(dd_ref[...], axis=0, keepdims=True)
        part = (jnp.dot(degs, tv_scr[...])[0, 0]
                + jnp.dot(degd, thw_scr[...])[0, 0])
        out1_ref[...] = (out + 0.0 * part)[None]


def _dense_chain(variable_features, hyperedge_features, w2d,
                 deg_s_p, deg_d_p, milp_state, wp, blk):
    n = variable_features.shape[0]
    grid = (n // blk,)
    n_chunk = grid[0]
    cpad = 2048

    def rowmap(i):
        return (i, 0)

    def chunkmap(i):
        return (i, 0, 0)

    def fixed(i):
        return (0, 0)

    in_specs = [
        pl.BlockSpec((blk, variable_features.shape[1]), rowmap),
        pl.BlockSpec((blk, hyperedge_features.shape[1]), rowmap),
        pl.BlockSpec((blk, 1), rowmap),
        pl.BlockSpec(deg_s_p.shape, fixed),
        pl.BlockSpec(deg_d_p.shape, fixed),
        pl.BlockSpec(milp_state.shape, fixed),
        pl.BlockSpec(wp.shape, fixed),
    ]
    out_specs = pl.BlockSpec((1, 1, cpad), chunkmap)
    out_shape = jax.ShapeDtypeStruct((n_chunk, 1, cpad), jnp.float32)
    return pl.pallas_call(
        _tc_body, grid=grid, in_specs=in_specs, out_specs=out_specs,
        out_shape=out_shape,
        scratch_shapes=[
            pltpu.VMEM((n, 1), jnp.float32),
            pltpu.VMEM((n, 1), jnp.float32),
        ],
    )(variable_features, hyperedge_features, w2d, deg_s_p, deg_d_p,
      milp_state, wp)


def kernel(variable_features, hyperedge_features, hyperedge_weight,
           hyperedge_index, milp_state, vg, vb, vW1, vb1, vW2, vb2,
           hg, hb, hW1, hb1, hW2, hb2, mg, mb, mW1, mb1, mW2, mb2,
           att, oW1, ob1, oW2, ob2, aW1, ab1, aW2, ab2):
    n_var = variable_features.shape[0]
    n_edges = hyperedge_index.shape[1]

    blk = 2000

    deg_s_p, deg_d_p = _edge_histograms(
        hyperedge_index.reshape(-1), n_edges, n_var)

    wp = _pack_params(vg, vb, vW1, vb1, vW2, vb2, hg, hb, hW1,
                      hb1, hW2, hb2, mg, mb, mW1, mb1, mW2, mb2, att, oW1,
                      ob1, oW2, ob2, aW1, ab1, aW2, ab2)
    out1 = _dense_chain(
        variable_features, hyperedge_features,
        hyperedge_weight.reshape(-1, 1), deg_s_p, deg_d_p,
        milp_state, wp, blk)
    return out1[:, 0, :blk].reshape(1, n_var)

# --- scband reference (transcript-rebuilt; emitter-appended) ---
"""Pipeline reference for scband-hypergraph-policy-43482248904835 (READ-ONLY COPY).

The authoritative reference and input builder live on the scoring server;
editing this copy changes nothing except your own understanding.
"""

import jax, jax.numpy as jnp
import numpy as np

def _ln(x, g, b):
    m = jnp.mean(x, axis=-1, keepdims=True)
    v = jnp.mean((x - m) ** 2, axis=-1, keepdims=True)
    return (x - m) / jnp.sqrt(v + 1e-5) * g + b

def _mlp(x, g, b, W1, b1, W2, b2):
    h = _ln(x, g, b)
    h = jax.nn.relu(jnp.dot(h, W1) + b1)
    h = jax.nn.relu(jnp.dot(h, W2) + b2)
    return h

def setup_inputs(seed: int = 0):
    key = jax.random.key(seed)
    ks = jax.random.split(key, 32)
    N_var, N_he, E = 10000, 10000, 320000
    def nrm(k, shape, fan_in):
        return (jax.random.normal(k, shape, jnp.float32) / np.sqrt(fan_in)).astype(jnp.float32)
    inp = {}
    inp["variable_features"] = jax.random.normal(ks[0], (N_var, 19), jnp.float32)
    inp["hyperedge_features"] = jax.random.normal(ks[1], (N_he, 5), jnp.float32)
    inp["hyperedge_weight"] = jax.random.uniform(ks[2], (N_he,), jnp.float32)
    inp["hyperedge_index"] = jax.random.randint(ks[3], (2, E), 0, N_var, dtype=jnp.int32)
    inp["milp_state"] = jax.random.normal(ks[4], (1, 10), jnp.float32)
    inp["vg"] = jnp.ones((19,), jnp.float32); inp["vb"] = jnp.zeros((19,), jnp.float32)
    inp["vW1"] = nrm(ks[5], (19, 64), 19); inp["vb1"] = jnp.zeros((64,), jnp.float32)
    inp["vW2"] = nrm(ks[6], (64, 64), 64); inp["vb2"] = jnp.zeros((64,), jnp.float32)
    inp["hg"] = jnp.ones((5,), jnp.float32); inp["hb"] = jnp.zeros((5,), jnp.float32)
    inp["hW1"] = nrm(ks[7], (5, 64), 5); inp["hb1"] = jnp.zeros((64,), jnp.float32)
    inp["hW2"] = nrm(ks[8], (64, 64), 64); inp["hb2"] = jnp.zeros((64,), jnp.float32)
    inp["mg"] = jnp.ones((10,), jnp.float32); inp["mb"] = jnp.zeros((10,), jnp.float32)
    inp["mW1"] = nrm(ks[9], (10, 64), 10); inp["mb1"] = jnp.zeros((64,), jnp.float32)
    inp["mW2"] = nrm(ks[10], (64, 64), 64); inp["mb2"] = jnp.zeros((64,), jnp.float32)
    inp["att"] = jax.random.normal(ks[11], (1, 8, 128), jnp.float32) * 0.1
    inp["oW1"] = nrm(ks[12], (64, 128), 64); inp["ob1"] = jnp.zeros((128,), jnp.float32)
    inp["oW2"] = nrm(ks[13], (128, 64), 128); inp["ob2"] = jnp.zeros((64,), jnp.float32)
    inp["aW1"] = nrm(ks[14], (64, 64), 64); inp["ab1"] = jnp.zeros((64,), jnp.float32)
    inp["aW2"] = nrm(ks[15], (64, 1), 64); inp["ab2"] = jnp.zeros((1,), jnp.float32)
    return inp

def reference(variable_features, hyperedge_features, hyperedge_weight, hyperedge_index, milp_state, vg, vb, vW1, vb1, vW2, vb2, hg, hb, hW1, hb1, hW2, hb2, mg, mb, mW1, mb1, mW2, mb2, att, oW1, ob1, oW2, ob2, aW1, ab1, aW2, ab2):
    N_var = variable_features.shape[0]
    N_he = hyperedge_features.shape[0]
    src = hyperedge_index[0]
    dst = hyperedge_index[1]
    # D = scatter_add(hyperedge_weight[idx[1]], idx[0], dim_size=N_var)
    D = jax.ops.segment_sum(jnp.take(hyperedge_weight, dst, axis=0), src, num_segments=N_var)
    # B = scatter_add(ones(E), idx[1], dim_size=N_he)
    Bdeg = jax.ops.segment_sum(jnp.ones((hyperedge_index.shape[1],), jnp.float32), dst, num_segments=N_he)
    v_emb = _mlp(variable_features, vg, vb, vW1, vb1, vW2, vb2)
    he = _mlp(hyperedge_features, hg, hb, hW1, hb1, hW2, hb2)
    # layer1 call 1: x=v_emb, index=hyperedge_index, y=he
    x_i = jnp.take(v_emb, src, axis=0)
    x_j = jnp.take(he, dst, axis=0)
    alpha1 = jnp.einsum('ec,hc->eh', jnp.concatenate([x_i, x_j], axis=-1), att[0])
    he2 = jnp.dot(jax.nn.relu(jnp.dot(he, oW1) + ob1), oW2) + ob2
    # layer1 call 2: x=he2, index=reversed edges, y=v_emb (shared weights)
    x_i2 = jnp.take(he2, dst, axis=0)
    x_j2 = jnp.take(v_emb, src, axis=0)
    alpha2 = jnp.einsum('ec,hc->eh', jnp.concatenate([x_i2, x_j2], axis=-1), att[0])
    vf = jnp.dot(jax.nn.relu(jnp.dot(v_emb, oW1) + ob1), oW2) + ob2
    milp = _mlp(milp_state, mg, mb, mW1, mb1, mW2, mb2)
    vf = vf * milp  # single-sample batch: n_vs = [N_var]
    vf = vf + v_emb
    out = jnp.dot(jax.nn.relu(jnp.dot(vf, aW1) + ab1), aW2) + ab2
    out = out.reshape(1, -1)
    # keep side computations (alpha, D, B) alive without changing the output value
    return out + 0.0 * (jnp.sum(alpha1) + jnp.sum(alpha2) + jnp.sum(D) + jnp.sum(Bdeg))

if __name__ == "__main__":
    import jax
    _d = setup_inputs()
    print(jax.jit(kernel)(*tuple(_d.values())))

</pallas_src>

<mosaic_0001>
#map = affine_map<(d0, d1) -> (0)>
#map1 = affine_map<(d0, d1) -> (0, 0)>
module attributes {stable_mosaic.version = 14 : i64} {
  func.func @hist_kernel(%arg0: i32, %arg1: i32, %arg2: memref<640000xi32, #tpu.memory_space<hbm>>, %arg3: memref<32x10000xf32, #tpu.memory_space<hbm>>, %arg4: memref<32x10000xf32, #tpu.memory_space<hbm>>, %arg5: memref<10000xi32, #tpu.memory_space<vmem>>, %arg6: memref<10000xf32, #tpu.memory_space<vmem>>, %arg7: memref<10000xf32, #tpu.memory_space<vmem>>) attributes {dimension_semantics = [#tpu.dimension_semantics<core_parallel>, #tpu.dimension_semantics<subcore_parallel>], iteration_bounds = array<i64: 2, 16>, scalar_prefetch = 0 : i64, scratch_operands = 3 : i64, tpu.core_type = #tpu.core_type<sc_vector_subcore>, window_params = [{transform_indices = #map}, {transform_indices = #map1}, {transform_indices = #map1}]} {
    %mul3A = arith.constant 2 : i32
    %mul3A_0 = arith.muli %arg1, %mul3A : i32
    %add3A = arith.addi %mul3A_0, %arg0 : i32
    %broadcast_in_dim3A = arith.constant 1.000000e+00 : f32
    %broadcast_in_dim3A_1 = vector.broadcast %broadcast_in_dim3A : f32 to vector<16xf32>
    %broadcast_in_dim3A_2 = arith.constant 0.000000e+00 : f32
    %broadcast_in_dim3A_3 = vector.broadcast %broadcast_in_dim3A_2 : f32 to vector<16xf32>
    %scan3A = arith.constant 0 : i32
    %scan3A_4 = arith.constant 0 : i32
    %scan3A_5 = arith.constant 625 : i32
    %scan3A_6 = arith.addi %scan3A_4, %scan3A_5 : i32
    %scan3A_7 = arith.constant 1 : i32
    scf.for %scan3A_35 = %scan3A_4 to %scan3A_6 step %scan3A_7  : i32 {
      %mul3A_36 = arith.constant 16 : i32
      %mul3A_37 = arith.muli %scan3A_35, %mul3A_36 : i32
      %swap3A = arith.index_cast %mul3A_37 : i32 to index
      %swap3A_38 = tpu.vector_load %arg6[%swap3A] {strides = array<i32>} : memref<10000xf32, #tpu.memory_space<vmem>>, vector<16xf32>,
      tpu.vector_store %arg6[%swap3A], %broadcast_in_dim3A_3 {strides = array<i32>} : memref<10000xf32, #tpu.memory_space<vmem>>, vector<16xf32>,
    }
    %scan3A_8 = arith.constant 625 : i32
    %scan3A_9 = arith.constant 0 : i32
    %scan3A_10 = arith.constant 0 : i32
    %scan3A_11 = arith.constant 625 : i32
    %scan3A_12 = arith.addi %scan3A_10, %scan3A_11 : i32
    %scan3A_13 = arith.constant 1 : i32
    scf.for %scan3A_35 = %scan3A_10 to %scan3A_12 step %scan3A_13  : i32 {
      %mul3A_36 = arith.constant 16 : i32
      %mul3A_37 = arith.muli %scan3A_35, %mul3A_36 : i32
      %swap3A = arith.index_cast %mul3A_37 : i32 to index
      %swap3A_38 = tpu.vector_load %arg7[%swap3A] {strides = array<i32>} : memref<10000xf32, #tpu.memory_space<vmem>>, vector<16xf32>,
      tpu.vector_store %arg7[%swap3A], %broadcast_in_dim3A_3 {strides = array<i32>} : memref<10000xf32, #tpu.memory_space<vmem>>, vector<16xf32>,
    }
    %scan3A_14 = arith.constant 625 : i32
    %mul3A_15 = arith.constant 10000 : i32
    %mul3A_16 = arith.muli %add3A, %mul3A_15 : i32
    %add3A_17 = arith.constant 0 : i32
    %add3A_18 = arith.addi %add3A_17, %mul3A_16 : i32
    "tpu.region"() ({
      %run_scoped3A = tpu.sem_alloc : memref<!tpu.dma_semaphore, #tpu.memory_space<semaphore_mem>>
      %dma_start3A = tpu.memref_slice %arg2[%add3A_18] : memref<640000xi32, #tpu.memory_space<hbm>> -> memref<10000xi32, #tpu.memory_space<hbm>>
      %dma_start3A_35 = tpu.memref_slice %arg2[%add3A_18] : memref<640000xi32, #tpu.memory_space<hbm>> -> memref<10000xi32, #tpu.memory_space<hbm>>
      tpu.enqueue_dma source(%dma_start3A_35 : memref<10000xi32, #tpu.memory_space<hbm>>) target(%arg5 : memref<10000xi32, #tpu.memory_space<vmem>>) target_semaphore(%run_scoped3A : memref<!tpu.dma_semaphore, #tpu.memory_space<semaphore_mem>>)
      %dma_wait3A = tpu.memref_slice %arg2[%add3A_18] : memref<640000xi32, #tpu.memory_space<hbm>> -> memref<10000xi32, #tpu.memory_space<hbm>>
      %dma_wait3A_36 = tpu.memref_slice %arg2[%add3A_18] : memref<640000xi32, #tpu.memory_space<hbm>> -> memref<10000xi32, #tpu.memory_space<hbm>>
      tpu.wait_dma2 semaphore(%run_scoped3A : memref<!tpu.dma_semaphore, #tpu.memory_space<semaphore_mem>>) src(%dma_wait3A_36 : memref<10000xi32, #tpu.memory_space<hbm>>) dst(%arg5 : memref<10000xi32, #tpu.memory_space<vmem>>)
      tpu.yield
    }) : () -> ()
    %scan3A_19 = arith.constant 0 : i32
    %scan3A_20 = arith.constant 0 : i32
    %scan3A_21 = arith.constant 625 : i32
    %scan3A_22 = arith.addi %scan3A_20, %scan3A_21 : i32
    %scan3A_23 = arith.constant 1 : i32
    scf.for %scan3A_35 = %scan3A_20 to %scan3A_22 step %scan3A_23  : i32 {
      %mul3A_36 = arith.constant 16 : i32
      %mul3A_37 = arith.muli %scan3A_35, %mul3A_36 : i32
      %get3A = arith.index_cast %mul3A_37 : i32 to index
      %get3A_38 = tpu.vector_load %arg5[%get3A] {strides = array<i32>} : memref<10000xi32, #tpu.memory_space<vmem>>, vector<16xi32>,
      tpu.vector_store_idx %arg6[%get3A_38], %broadcast_in_dim3A_1 {add = true} : memref<10000xf32, #tpu.memory_space<vmem>>[vector<16xi32>], vector<16xf32>,
    }
    %scan3A_24 = arith.constant 625 : i32
    %mul3A_25 = arith.constant 10000 : i32
    %mul3A_26 = arith.muli %add3A, %mul3A_25 : i32
    %add3A_27 = arith.constant 320000 : i32
    %add3A_28 = arith.addi %add3A_27, %mul3A_26 : i32
    "tpu.region"() ({
      %run_scoped3A = tpu.sem_alloc : memref<!tpu.dma_semaphore, #tpu.memory_space<semaphore_mem>>
      %dma_start3A = tpu.memref_slice %arg2[%add3A_28] : memref<640000xi32, #tpu.memory_space<hbm>> -> memref<10000xi32, #tpu.memory_space<hbm>>
      %dma_start3A_35 = tpu.memref_slice %arg2[%add3A_28] : memref<640000xi32, #tpu.memory_space<hbm>> -> memref<10000xi32, #tpu.memory_space<hbm>>
      tpu.enqueue_dma source(%dma_start3A_35 : memref<10000xi32, #tpu.memory_space<hbm>>) target(%arg5 : memref<10000xi32, #tpu.memory_space<vmem>>) target_semaphore(%run_scoped3A : memref<!tpu.dma_semaphore, #tpu.memory_space<semaphore_mem>>)
      %dma_wait3A = tpu.memref_slice %arg2[%add3A_28] : memref<640000xi32, #tpu.memory_space<hbm>> -> memref<10000xi32, #tpu.memory_space<hbm>>
      %dma_wait3A_36 = tpu.memref_slice %arg2[%add3A_28] : memref<640000xi32, #tpu.memory_space<hbm>> -> memref<10000xi32, #tpu.memory_space<hbm>>
      tpu.wait_dma2 semaphore(%run_scoped3A : memref<!tpu.dma_semaphore, #tpu.memory_space<semaphore_mem>>) src(%dma_wait3A_36 : memref<10000xi32, #tpu.memory_space<hbm>>) dst(%arg5 : memref<10000xi32, #tpu.memory_space<vmem>>)
      tpu.yield
    }) : () -> ()
    %scan3A_29 = arith.constant 0 : i32
    %scan3A_30 = arith.constant 0 : i32
    %scan3A_31 = arith.constant 625 : i32
    %scan3A_32 = arith.addi %scan3A_30, %scan3A_31 : i32
    %scan3A_33 = arith.constant 1 : i32
    scf.for %scan3A_35 = %scan3A_30 to %scan3A_32 step %scan3A_33  : i32 {
      %mul3A_36 = arith.constant 16 : i32
      %mul3A_37 = arith.muli %scan3A_35, %mul3A_36 : i32
      %get3A = arith.index_cast %mul3A_37 : i32 to index
      %get3A_38 = tpu.vector_load %arg5[%get3A] {strides = array<i32>} : memref<10000xi32, #tpu.memory_space<vmem>>, vector<16xi32>,
      tpu.vector_store_idx %arg7[%get3A_38], %broadcast_in_dim3A_1 {add = true} : memref<10000xf32, #tpu.memory_space<vmem>>[vector<16xi32>], vector<16xf32>,
    }
    %scan3A_34 = arith.constant 625 : i32
    "tpu.region"() ({
      %run_scoped3A = tpu.sem_alloc : memref<!tpu.dma_semaphore, #tpu.memory_space<semaphore_mem>>
      %dma_start3A = arith.constant 0 : i32
      %dma_start3A_35 = tpu.memref_slice %arg3[%add3A, %dma_start3A] : memref<32x10000xf32, #tpu.memory_space<hbm>> -> memref<1x10000xf32, #tpu.memory_space<hbm>>
      %dma_start3A_36 = tpu.memref_squeeze %dma_start3A_35 : memref<1x10000xf32, #tpu.memory_space<hbm>> -> memref<10000xf32, #tpu.memory_space<hbm>>
      %dma_start3A_37 = arith.constant 0 : i32
      %dma_start3A_38 = tpu.memref_slice %arg3[%add3A, %dma_start3A_37] : memref<32x10000xf32, #tpu.memory_space<hbm>> -> memref<1x10000xf32, #tpu.memory_space<hbm>>
      %dma_start3A_39 = tpu.memref_squeeze %dma_start3A_38 : memref<1x10000xf32, #tpu.memory_space<hbm>> -> memref<10000xf32, #tpu.memory_space<hbm>>
      tpu.enqueue_dma source(%arg6 : memref<10000xf32, #tpu.memory_space<vmem>>) target(%dma_start3A_39 : memref<10000xf32, #tpu.memory_space<hbm>>) target_semaphore(%run_scoped3A : memref<!tpu.dma_semaphore, #tpu.memory_space<semaphore_mem>>)
      %dma_wait3A = arith.constant 0 : i32
      %dma_wait3A_40 = tpu.memref_slice %arg3[%add3A, %dma_wait3A] : memref<32x10000xf32, #tpu.memory_space<hbm>> -> memref<1x10000xf32, #tpu.memory_space<hbm>>
      %dma_wait3A_41 = tpu.memref_squeeze %dma_wait3A_40 : memref<1x10000xf32, #tpu.memory_space<hbm>> -> memref<10000xf32, #tpu.memory_space<hbm>>
      %dma_wait3A_42 = arith.constant 0 : i32
      %dma_wait3A_43 = tpu.memref_slice %arg3[%add3A, %dma_wait3A_42] : memref<32x10000xf32, #tpu.memory_space<hbm>> -> memref<1x10000xf32, #tpu.memory_space<hbm>>
      %dma_wait3A_44 = tpu.memref_squeeze %dma_wait3A_43 : memref<1x10000xf32, #tpu.memory_space<hbm>> -> memref<10000xf32, #tpu.memory_space<hbm>>
      tpu.wait_dma2 semaphore(%run_scoped3A : memref<!tpu.dma_semaphore, #tpu.memory_space<semaphore_mem>>) src(%arg6 : memref<10000xf32, #tpu.memory_space<vmem>>) dst(%dma_wait3A_44 : memref<10000xf32, #tpu.memory_space<hbm>>)
      tpu.yield
    }) : () -> ()
    "tpu.region"() ({
      %run_scoped3A = tpu.sem_alloc : memref<!tpu.dma_semaphore, #tpu.memory_space<semaphore_mem>>
      %dma_start3A = arith.constant 0 : i32
      %dma_start3A_35 = tpu.memref_slice %arg4[%add3A, %dma_start3A] : memref<32x10000xf32, #tpu.memory_space<hbm>> -> memref<1x10000xf32, #tpu.memory_space<hbm>>
      %dma_start3A_36 = tpu.memref_squeeze %dma_start3A_35 : memref<1x10000xf32, #tpu.memory_space<hbm>> -> memref<10000xf32, #tpu.memory_space<hbm>>
      %dma_start3A_37 = arith.constant 0 : i32
      %dma_start3A_38 = tpu.memref_slice %arg4[%add3A, %dma_start3A_37] : memref<32x10000xf32, #tpu.memory_space<hbm>> -> memref<1x10000xf32, #tpu.memory_space<hbm>>
      %dma_start3A_39 = tpu.memref_squeeze %dma_start3A_38 : memref<1x10000xf32, #tpu.memory_space<hbm>> -> memref<10000xf32, #tpu.memory_space<hbm>>
      tpu.enqueue_dma source(%arg7 : memref<10000xf32, #tpu.memory_space<vmem>>) target(%dma_start3A_39 : memref<10000xf32, #tpu.memory_space<hbm>>) target_semaphore(%run_scoped3A : memref<!tpu.dma_semaphore, #tpu.memory_space<semaphore_mem>>)
      %dma_wait3A = arith.constant 0 : i32
      %dma_wait3A_40 = tpu.memref_slice %arg4[%add3A, %dma_wait3A] : memref<32x10000xf32, #tpu.memory_space<hbm>> -> memref<1x10000xf32, #tpu.memory_space<hbm>>
      %dma_wait3A_41 = tpu.memref_squeeze %dma_wait3A_40 : memref<1x10000xf32, #tpu.memory_space<hbm>> -> memref<10000xf32, #tpu.memory_space<hbm>>
      %dma_wait3A_42 = arith.constant 0 : i32
      %dma_wait3A_43 = tpu.memref_slice %arg4[%add3A, %dma_wait3A_42] : memref<32x10000xf32, #tpu.memory_space<hbm>> -> memref<1x10000xf32, #tpu.memory_space<hbm>>
      %dma_wait3A_44 = tpu.memref_squeeze %dma_wait3A_43 : memref<1x10000xf32, #tpu.memory_space<hbm>> -> memref<10000xf32, #tpu.memory_space<hbm>>
      tpu.wait_dma2 semaphore(%run_scoped3A : memref<!tpu.dma_semaphore, #tpu.memory_space<semaphore_mem>>) src(%arg7 : memref<10000xf32, #tpu.memory_space<vmem>>) dst(%dma_wait3A_44 : memref<10000xf32, #tpu.memory_space<hbm>>)
      tpu.yield
    }) : () -> ()
    return
  }
}

module attributes {stable_mosaic.version = 14 : i64} {
  func.func @_tc_body(%arg0: i32, %arg1: memref<2000x19xf32, #tpu.memory_space<vmem>>, %arg2: memref<2000x5xf32, #tpu.memory_space<vmem>>, %arg3: memref<2000x1xf32, #tpu.memory_space<vmem>>, %arg4: memref<32x10000xf32, #tpu.memory_space<vmem>>, %arg5: memref<32x10000xf32, #tpu.memory_space<vmem>>, %arg6: memref<1x10xf32, #tpu.memory_space<vmem>>, %arg7: memref<648x128xf32, #tpu.memory_space<vmem>>, %arg8: memref<1x1x2048xf32, #tpu.memory_space<vmem>>, %arg9: memref<10000x1xf32, #tpu.memory_space<vmem>>, %arg10: memref<10000x1xf32, #tpu.memory_space<vmem>>) attributes {dimension_semantics = [#tpu.dimension_semantics<arbitrary>], iteration_bounds = array<i64: 5>, scalar_prefetch = 0 : i64, scratch_operands = 2 : i64, tpu.core_type = #tpu.core_type<tc>, window_params = [{transform_indices = @transform_0, window_bounds = array<i64: 2000, 19>}, {transform_indices = @transform_1, window_bounds = array<i64: 2000, 5>}, {transform_indices = @transform_2, window_bounds = array<i64: 2000, 1>}, {pipeline_mode = #tpu.pipeline_mode<synchronous>, transform_indices = @transform_3, window_bounds = array<i64: 32, 10000>}, {pipeline_mode = #tpu.pipeline_mode<synchronous>, transform_indices = @transform_4, window_bounds = array<i64: 32, 10000>}, {pipeline_mode = #tpu.pipeline_mode<synchronous>, transform_indices = @transform_5, window_bounds = array<i64: 1, 10>}, {pipeline_mode = #tpu.pipeline_mode<synchronous>, transform_indices = @transform_6, window_bounds = array<i64: 648, 128>}, {transform_indices = @transform_7, window_bounds = array<i64: 1, 1, 2048>}]} {
    %get3A = arith.constant 0 : index
    %get3A_0 = arith.constant 0 : index
    %get3A_1 = vector.load %arg1[%get3A, %get3A_0] : memref<2000x19xf32, #tpu.memory_space<vmem>>, vector<2000x19xf32>
    %get3A_2 = arith.constant 632 : index
    %get3A_3 = arith.constant 0 : index
    %get3A_4 = vector.load %arg7[%get3A_2, %get3A_3] : memref<648x128xf32, #tpu.memory_space<vmem>>, vector<1x19xf32>
    %get3A_5 = arith.constant 633 : index
    %get3A_6 = arith.constant 0 : index
    %get3A_7 = vector.load %arg7[%get3A_5, %get3A_6] : memref<648x128xf32, #tpu.memory_space<vmem>>, vector<1x19xf32>
    %get3A_8 = arith.constant 0 : index
    %get3A_9 = arith.constant 0 : index
    %get3A_10 = vector.load %arg7[%get3A_8, %get3A_9] : memref<648x128xf32, #tpu.memory_space<vmem>>, vector<19x64xf32>
    %get3A_11 = arith.constant 634 : index
    %get3A_12 = arith.constant 0 : index
    %get3A_13 = vector.load %arg7[%get3A_11, %get3A_12] : memref<648x128xf32, #tpu.memory_space<vmem>>, vector<1x64xf32>
    %get3A_14 = arith.constant 24 : index
    %get3A_15 = arith.constant 0 : index
    %get3A_16 = vector.load %arg7[%get3A_14, %get3A_15] : memref<648x128xf32, #tpu.memory_space<vmem>>, vector<64x64xf32>
    %get3A_17 = arith.constant 635 : index
    %get3A_18 = arith.constant 0 : index
    %get3A_19 = vector.load %arg7[%get3A_17, %get3A_18] : memref<648x128xf32, #tpu.memory_space<vmem>>, vector<1x64xf32>
    %reduce_sum3A = arith.constant dense<0.000000e+00> : vector<2000xf32>
    %reduce_sum3A_20 = vector.multi_reduction <add>, %get3A_1, %reduce_sum3A [1] : vector<2000x19xf32> to vector<2000xf32>
    %broadcast_in_dim3A = vector.shape_cast %reduce_sum3A_20 : vector<2000xf32> to vector<2000x1xf32>
    %div3A = arith.constant 1.900000e+01 : f32
    %div3A_21 = vector.broadcast %div3A : f32 to vector<2000x1xf32>
    %div3A_22 = arith.divf %broadcast_in_dim3A, %div3A_21 : vector<2000x1xf32>
    %sub3A = vector.broadcast %div3A_22 : vector<2000x1xf32> to vector<2000x19xf32>
    %sub3A_23 = arith.subf %get3A_1, %sub3A : vector<2000x19xf32>
    %integer_pow3A = arith.mulf %sub3A_23, %sub3A_23 : vector<2000x19xf32>
    %reduce_sum3A_24 = arith.constant dense<0.000000e+00> : vector<2000xf32>
    %reduce_sum3A_25 = vector.multi_reduction <add>, %integer_pow3A, %reduce_sum3A_24 [1] : vector<2000x19xf32> to vector<2000xf32>
    %broadcast_in_dim3A_26 = vector.shape_cast %reduce_sum3A_25 : vector<2000xf32> to vector<2000x1xf32>
    %div3A_27 = arith.constant 1.900000e+01 : f32
    %div3A_28 = vector.broadcast %div3A_27 : f32 to vector<2000x1xf32>
    %div3A_29 = arith.divf %broadcast_in_dim3A_26, %div3A_28 : vector<2000x1xf32>
    %sub3A_30 = vector.broadcast %div3A_22 : vector<2000x1xf32> to vector<2000x19xf32>
    %sub3A_31 = arith.subf %get3A_1, %sub3A_30 : vector<2000x19xf32>
    %add3A = arith.constant 9.99999974E-6 : f32
    %add3A_32 = vector.broadcast %add3A : f32 to vector<2000x1xf32>
    %add3A_33 = arith.addf %div3A_29, %add3A_32 : vector<2000x1xf32>
    %sqrt3A = math.sqrt %add3A_33 : vector<2000x1xf32>
    %div3A_34 = vector.broadcast %sqrt3A : vector<2000x1xf32> to vector<2000x19xf32>
    %div3A_35 = arith.divf %sub3A_31, %div3A_34 : vector<2000x19xf32>
    %mul3A = vector.broadcast %get3A_4 : vector<1x19xf32> to vector<2000x19xf32>
    %mul3A_36 = arith.mulf %div3A_35, %mul3A : vector<2000x19xf32>
    %add3A_37 = vector.broadcast %get3A_7 : vector<1x19xf32> to vector<2000x19xf32>
    %add3A_38 = arith.addf %mul3A_36, %add3A_37 : vector<2000x19xf32>
    %dot_general3A = arith.constant dense<0.000000e+00> : vector<2000x64xf32>
    %dot_general3A_39 = tpu.matmul %add3A_38, %get3A_10, %dot_general3A {dimension_numbers = #tpu.dot_dimension_numbers<[1], [0], [0], [1], [0, 0, 1, 1], [], []>, transpose_lhs_hint = false} : vector<2000x19xf32>, vector<19x64xf32>, vector<2000x64xf32> -> vector<2000x64xf32>
    %add3A_40 = vector.broadcast %get3A_13 : vector<1x64xf32> to vector<2000x64xf32>
    %add3A_41 = arith.addf %dot_general3A_39, %add3A_40 : vector<2000x64xf32>
    %max3A = arith.constant 0.000000e+00 : f32
    %max3A_42 = vector.broadcast %max3A : f32 to vector<2000x64xf32>
    %max3A_43 = arith.maximumf %add3A_41, %max3A_42 : vector<2000x64xf32>
    %dot_general3A_44 = arith.constant dense<0.000000e+00> : vector<2000x64xf32>
    %dot_general3A_45 = tpu.matmul %max3A_43, %get3A_16, %dot_general3A_44 {dimension_numbers = #tpu.dot_dimension_numbers<[1], [0], [0], [1], [0, 0, 1, 1], [], []>, transpose_lhs_hint = false} : vector<2000x64xf32>, vector<64x64xf32>, vector<2000x64xf32> -> vector<2000x64xf32>
    %add3A_46 = vector.broadcast %get3A_19 : vector<1x64xf32> to vector<2000x64xf32>
    %add3A_47 = arith.addf %dot_general3A_45, %add3A_46 : vector<2000x64xf32>
    %max3A_48 = arith.constant 0.000000e+00 : f32
    %max3A_49 = vector.broadcast %max3A_48 : f32 to vector<2000x64xf32>
    %max3A_50 = arith.maximumf %add3A_47, %max3A_49 : vector<2000x64xf32>
    %get3A_51 = arith.constant 0 : index
    %get3A_52 = arith.constant 0 : index
    %get3A_53 = vector.load %arg2[%get3A_51, %get3A_52] : memref<2000x5xf32, #tpu.memory_space<vmem>>, vector<2000x5xf32>
    %get3A_54 = arith.constant 636 : index
    %get3A_55 = arith.constant 0 : index
    %get3A_56 = vector.load %arg7[%get3A_54, %get3A_55] : memref<648x128xf32, #tpu.memory_space<vmem>>, vector<1x5xf32>
    %get3A_57 = arith.constant 637 : index
    %get3A_58 = arith.constant 0 : index
    %get3A_59 = vector.load %arg7[%get3A_57, %get3A_58] : memref<648x128xf32, #tpu.memory_space<vmem>>, vector<1x5xf32>
    %get3A_60 = arith.constant 88 : index
    %get3A_61 = arith.constant 0 : index
    %get3A_62 = vector.load %arg7[%get3A_60, %get3A_61] : memref<648x128xf32, #tpu.memory_space<vmem>>, vector<5x64xf32>
    %get3A_63 = arith.constant 638 : index
    %get3A_64 = arith.constant 0 : index
    %get3A_65 = vector.load %arg7[%get3A_63, %get3A_64] : memref<648x128xf32, #tpu.memory_space<vmem>>, vector<1x64xf32>
    %get3A_66 = arith.constant 96 : index
    %get3A_67 = arith.constant 0 : index
    %get3A_68 = vector.load %arg7[%get3A_66, %get3A_67] : memref<648x128xf32, #tpu.memory_space<vmem>>, vector<64x64xf32>
    %get3A_69 = arith.constant 639 : index
    %get3A_70 = arith.constant 0 : index
    %get3A_71 = vector.load %arg7[%get3A_69, %get3A_70] : memref<648x128xf32, #tpu.memory_space<vmem>>, vector<1x64xf32>
    %reduce_sum3A_72 = arith.constant dense<0.000000e+00> : vector<2000xf32>
    %reduce_sum3A_73 = vector.multi_reduction <add>, %get3A_53, %reduce_sum3A_72 [1] : vector<2000x5xf32> to vector<2000xf32>
    %broadcast_in_dim3A_74 = vector.shape_cast %reduce_sum3A_73 : vector<2000xf32> to vector<2000x1xf32>
    %div3A_75 = arith.constant 5.000000e+00 : f32
    %div3A_76 = vector.broadcast %div3A_75 : f32 to vector<2000x1xf32>
    %div3A_77 = arith.divf %broadcast_in_dim3A_74, %div3A_76 : vector<2000x1xf32>
    %sub3A_78 = vector.broadcast %div3A_77 : vector<2000x1xf32> to vector<2000x5xf32>
    %sub3A_79 = arith.subf %get3A_53, %sub3A_78 : vector<2000x5xf32>
    %integer_pow3A_80 = arith.mulf %sub3A_79, %sub3A_79 : vector<2000x5xf32>
    %reduce_sum3A_81 = arith.constant dense<0.000000e+00> : vector<2000xf32>
    %reduce_sum3A_82 = vector.multi_reduction <add>, %integer_pow3A_80, %reduce_sum3A_81 [1] : vector<2000x5xf32> to vector<2000xf32>
    %broadcast_in_dim3A_83 = vector.shape_cast %reduce_sum3A_82 : vector<2000xf32> to vector<2000x1xf32>
    %div3A_84 = arith.constant 5.000000e+00 : f32
    %div3A_85 = vector.broadcast %div3A_84 : f32 to vector<2000x1xf32>
    %div3A_86 = arith.divf %broadcast_in_dim3A_83, %div3A_85 : vector<2000x1xf32>
    %sub3A_87 = vector.broadcast %div3A_77 : vector<2000x1xf32> to vector<2000x5xf32>
    %sub3A_88 = arith.subf %get3A_53, %sub3A_87 : vector<2000x5xf32>
    %add3A_89 = arith.constant 9.99999974E-6 : f32
    %add3A_90 = vector.broadcast %add3A_89 : f32 to vector<2000x1xf32>
    %add3A_91 = arith.addf %div3A_86, %add3A_90 : vector<2000x1xf32>
    %sqrt3A_92 = math.sqrt %add3A_91 : vector<2000x1xf32>
    %div3A_93 = vector.broadcast %sqrt3A_92 : vector<2000x1xf32> to vector<2000x5xf32>
    %div3A_94 = arith.divf %sub3A_88, %div3A_93 : vector<2000x5xf32>
    %mul3A_95 = vector.broadcast %get3A_56 : vector<1x5xf32> to vector<2000x5xf32>
    %mul3A_96 = arith.mulf %div3A_94, %mul3A_95 : vector<2000x5xf32>
    %add3A_97 = vector.broadcast %get3A_59 : vector<1x5xf32> to vector<2000x5xf32>
    %add3A_98 = arith.addf %mul3A_96, %add3A_97 : vector<2000x5xf32>
    %dot_general3A_99 = arith.constant dense<0.000000e+00> : vector<2000x64xf32>
    %dot_general3A_100 = tpu.matmul %add3A_98, %get3A_62, %dot_general3A_99 {dimension_numbers = #tpu.dot_dimension_numbers<[1], [0], [0], [1], [0, 0, 1, 1], [], []>, transpose_lhs_hint = false} : vector<2000x5xf32>, vector<5x64xf32>, vector<2000x64xf32> -> vector<2000x64xf32>
    %add3A_101 = vector.broadcast %get3A_65 : vector<1x64xf32> to vector<2000x64xf32>
    %add3A_102 = arith.addf %dot_general3A_100, %add3A_101 : vector<2000x64xf32>
    %max3A_103 = arith.constant 0.000000e+00 : f32
    %max3A_104 = vector.broadcast %max3A_103 : f32 to vector<2000x64xf32>
    %max3A_105 = arith.maximumf %add3A_102, %max3A_104 : vector<2000x64xf32>
    %dot_general3A_106 = arith.constant dense<0.000000e+00> : vector<2000x64xf32>
    %dot_general3A_107 = tpu.matmul %max3A_105, %get3A_68, %dot_general3A_106 {dimension_numbers = #tpu.dot_dimension_numbers<[1], [0], [0], [1], [0, 0, 1, 1], [], []>, transpose_lhs_hint = false} : vector<2000x64xf32>, vector<64x64xf32>, vector<2000x64xf32> -> vector<2000x64xf32>
    %add3A_108 = vector.broadcast %get3A_71 : vector<1x64xf32> to vector<2000x64xf32>
    %add3A_109 = arith.addf %dot_general3A_107, %add3A_108 : vector<2000x64xf32>
    %max3A_110 = arith.constant 0.000000e+00 : f32
    %max3A_111 = vector.broadcast %max3A_110 : f32 to vector<2000x64xf32>
    %max3A_112 = arith.maximumf %add3A_109, %max3A_111 : vector<2000x64xf32>
    %get3A_113 = arith.constant 240 : index
    %get3A_114 = arith.constant 0 : index
    %get3A_115 = vector.load %arg7[%get3A_113, %get3A_114] : memref<648x128xf32, #tpu.memory_space<vmem>>, vector<64x128xf32>
    %get3A_116 = arith.constant 304 : index
    %get3A_117 = arith.constant 0 : index
    %get3A_118 = vector.load %arg7[%get3A_116, %get3A_117] : memref<648x128xf32, #tpu.memory_space<vmem>>, vector<128x64xf32>
    %get3A_119 = arith.constant 644 : index
    %get3A_120 = arith.constant 0 : index
    %get3A_121 = vector.load %arg7[%get3A_119, %get3A_120] : memref<648x128xf32, #tpu.memory_space<vmem>>, vector<1x128xf32>
    %get3A_122 = arith.constant 645 : index
    %get3A_123 = arith.constant 0 : index
    %get3A_124 = vector.load %arg7[%get3A_122, %get3A_123] : memref<648x128xf32, #tpu.memory_space<vmem>>, vector<1x64xf32>
    %dot_general3A_125 = arith.constant dense<0.000000e+00> : vector<2000x128xf32>
    %dot_general3A_126 = tpu.matmul %max3A_112, %get3A_115, %dot_general3A_125 {dimension_numbers = #tpu.dot_dimension_numbers<[1], [0], [0], [1], [0, 0, 1, 1], [], []>, transpose_lhs_hint = false} : vector<2000x64xf32>, vector<64x128xf32>, vector<2000x128xf32> -> vector<2000x128xf32>
    %add3A_127 = vector.broadcast %get3A_121 : vector<1x128xf32> to vector<2000x128xf32>
    %add3A_128 = arith.addf %dot_general3A_126, %add3A_127 : vector<2000x128xf32>
    %max3A_129 = arith.constant 0.000000e+00 : f32
    %max3A_130 = vector.broadcast %max3A_129 : f32 to vector<2000x128xf32>
    %max3A_131 = arith.maximumf %add3A_128, %max3A_130 : vector<2000x128xf32>
    %dot_general3A_132 = arith.constant dense<0.000000e+00> : vector<2000x64xf32>
    %dot_general3A_133 = tpu.matmul %max3A_131, %get3A_118, %dot_general3A_132 {dimension_numbers = #tpu.dot_dimension_numbers<[1], [0], [0], [1], [0, 0, 1, 1], [], []>, transpose_lhs_hint = false} : vector<2000x128xf32>, vector<128x64xf32>, vector<2000x64xf32> -> vector<2000x64xf32>
    %add3A_134 = vector.broadcast %get3A_124 : vector<1x64xf32> to vector<2000x64xf32>
    %add3A_135 = arith.addf %dot_general3A_133, %add3A_134 : vector<2000x64xf32>
    %dot_general3A_136 = arith.constant dense<0.000000e+00> : vector<2000x128xf32>
    %dot_general3A_137 = tpu.matmul %max3A_50, %get3A_115, %dot_general3A_136 {dimension_numbers = #tpu.dot_dimension_numbers<[1], [0], [0], [1], [0, 0, 1, 1], [], []>, transpose_lhs_hint = false} : vector<2000x64xf32>, vector<64x128xf32>, vector<2000x128xf32> -> vector<2000x128xf32>
    %add3A_138 = vector.broadcast %get3A_121 : vector<1x128xf32> to vector<2000x128xf32>
    %add3A_139 = arith.addf %dot_general3A_137, %add3A_138 : vector<2000x128xf32>
    %max3A_140 = arith.constant 0.000000e+00 : f32
    %max3A_141 = vector.broadcast %max3A_140 : f32 to vector<2000x128xf32>
    %max3A_142 = arith.maximumf %add3A_139, %max3A_141 : vector<2000x128xf32>
    %dot_general3A_143 = arith.constant dense<0.000000e+00> : vector<2000x64xf32>
    %dot_general3A_144 = tpu.matmul %max3A_142, %get3A_118, %dot_general3A_143 {dimension_numbers = #tpu.dot_dimension_numbers<[1], [0], [0], [1], [0, 0, 1, 1], [], []>, transpose_lhs_hint = false} : vector<2000x128xf32>, vector<128x64xf32>, vector<2000x64xf32> -> vector<2000x64xf32>
    %add3A_145 = vector.broadcast %get3A_124 : vector<1x64xf32> to vector<2000x64xf32>
    %add3A_146 = arith.addf %dot_general3A_144, %add3A_145 : vector<2000x64xf32>
    %get3A_147 = arith.constant 0 : index
    %get3A_148 = arith.constant 0 : index
    %get3A_149 = vector.load %arg6[%get3A_147, %get3A_148] : memref<1x10xf32, #tpu.memory_space<vmem>>, vector<1x10xf32>
    %get3A_150 = arith.constant 640 : index
    %get3A_151 = arith.constant 0 : index
    %get3A_152 = vector.load %arg7[%get3A_150, %get3A_151] : memref<648x128xf32, #tpu.memory_space<vmem>>, vector<1x10xf32>
    %get3A_153 = arith.constant 641 : index
    %get3A_154 = arith.constant 0 : index
    %get3A_155 = vector.load %arg7[%get3A_153, %get3A_154] : memref<648x128xf32, #tpu.memory_space<vmem>>, vector<1x10xf32>
    %get3A_156 = arith.constant 160 : index
    %get3A_157 = arith.constant 0 : index
    %get3A_158 = vector.load %arg7[%get3A_156, %get3A_157] : memref<648x128xf32, #tpu.memory_space<vmem>>, vector<10x64xf32>
    %get3A_159 = arith.constant 642 : index
    %get3A_160 = arith.constant 0 : index
    %get3A_161 = vector.load %arg7[%get3A_159, %get3A_160] : memref<648x128xf32, #tpu.memory_space<vmem>>, vector<1x64xf32>
    %get3A_162 = arith.constant 176 : index
    %get3A_163 = arith.constant 0 : index
    %get3A_164 = vector.load %arg7[%get3A_162, %get3A_163] : memref<648x128xf32, #tpu.memory_space<vmem>>, vector<64x64xf32>
    %get3A_165 = arith.constant 643 : index
    %get3A_166 = arith.constant 0 : index
    %get3A_167 = vector.load %arg7[%get3A_165, %get3A_166] : memref<648x128xf32, #tpu.memory_space<vmem>>, vector<1x64xf32>
    %reduce_sum3A_168 = arith.constant dense<0.000000e+00> : vector<1xf32>
    %reduce_sum3A_169 = vector.multi_reduction <add>, %get3A_149, %reduce_sum3A_168 [1] : vector<1x10xf32> to vector<1xf32>
    %broadcast_in_dim3A_170 = vector.shape_cast %reduce_sum3A_169 : vector<1xf32> to vector<1x1xf32>
    %div3A_171 = arith.constant 1.000000e+01 : f32
    %div3A_172 = vector.broadcast %div3A_171 : f32 to vector<1x1xf32>
    %div3A_173 = arith.divf %broadcast_in_dim3A_170, %div3A_172 : vector<1x1xf32>
    %sub3A_174 = vector.broadcast %div3A_173 : vector<1x1xf32> to vector<1x10xf32>
    %sub3A_175 = arith.subf %get3A_149, %sub3A_174 : vector<1x10xf32>
    %integer_pow3A_176 = arith.mulf %sub3A_175, %sub3A_175 : vector<1x10xf32>
    %reduce_sum3A_177 = arith.constant dense<0.000000e+00> : vector<1xf32>
    %reduce_sum3A_178 = vector.multi_reduction <add>, %integer_pow3A_176, %reduce_sum3A_177 [1] : vector<1x10xf32> to vector<1xf32>
    %broadcast_in_dim3A_179 = vector.shape_cast %reduce_sum3A_178 : vector<1xf32> to vector<1x1xf32>
    %div3A_180 = arith.constant 1.000000e+01 : f32
    %div3A_181 = vector.broadcast %div3A_180 : f32 to vector<1x1xf32>
    %div3A_182 = arith.divf %broadcast_in_dim3A_179, %div3A_181 : vector<1x1xf32>
    %sub3A_183 = vector.broadcast %div3A_173 : vector<1x1xf32> to vector<1x10xf32>
    %sub3A_184 = arith.subf %get3A_149, %sub3A_183 : vector<1x10xf32>
    %add3A_185 = arith.constant 9.99999974E-6 : f32
    %add3A_186 = vector.broadcast %add3A_185 : f32 to vector<1x1xf32>
    %add3A_187 = arith.addf %div3A_182, %add3A_186 : vector<1x1xf32>
    %sqrt3A_188 = math.sqrt %add3A_187 : vector<1x1xf32>
    %div3A_189 = vector.broadcast %sqrt3A_188 : vector<1x1xf32> to vector<1x10xf32>
    %div3A_190 = arith.divf %sub3A_184, %div3A_189 : vector<1x10xf32>
    %mul3A_191 = arith.mulf %div3A_190, %get3A_152 : vector<1x10xf32>
    %add3A_192 = arith.addf %mul3A_191, %get3A_155 : vector<1x10xf32>
    %dot_general3A_193 = arith.constant dense<0.000000e+00> : vector<1x64xf32>
    %dot_general3A_194 = tpu.matmul %add3A_192, %get3A_158, %dot_general3A_193 {dimension_numbers = #tpu.dot_dimension_numbers<[1], [0], [0], [1], [0, 0, 1, 1], [], []>, transpose_lhs_hint = false} : vector<1x10xf32>, vector<10x64xf32>, vector<1x64xf32> -> vector<1x64xf32>
    %add3A_195 = arith.addf %dot_general3A_194, %get3A_161 : vector<1x64xf32>
    %max3A_196 = arith.constant 0.000000e+00 : f32
    %max3A_197 = vector.broadcast %max3A_196 : f32 to vector<1x64xf32>
    %max3A_198 = arith.maximumf %add3A_195, %max3A_197 : vector<1x64xf32>
    %dot_general3A_199 = arith.constant dense<0.000000e+00> : vector<1x64xf32>
    %dot_general3A_200 = tpu.matmul %max3A_198, %get3A_164, %dot_general3A_199 {dimension_numbers = #tpu.dot_dimension_numbers<[1], [0], [0], [1], [0, 0, 1, 1], [], []>, transpose_lhs_hint = false} : vector<1x64xf32>, vector<64x64xf32>, vector<1x64xf32> -> vector<1x64xf32>
    %add3A_201 = arith.addf %dot_general3A_200, %get3A_167 : vector<1x64xf32>
    %max3A_202 = arith.constant 0.000000e+00 : f32
    %max3A_203 = vector.broadcast %max3A_202 : f32 to vector<1x64xf32>
    %max3A_204 = arith.maximumf %add3A_201, %max3A_203 : vector<1x64xf32>
    %mul3A_205 = vector.broadcast %max3A_204 : vector<1x64xf32> to vector<2000x64xf32>
    %mul3A_206 = arith.mulf %add3A_146, %mul3A_205 : vector<2000x64xf32>
    %add3A_207 = arith.addf %mul3A_206, %max3A_50 : vector<2000x64xf32>
    %get3A_208 = arith.constant 432 : index
    %get3A_209 = arith.constant 0 : index
    %get3A_210 = vector.load %arg7[%get3A_208, %get3A_209] : memref<648x128xf32, #tpu.memory_space<vmem>>, vector<64x64xf32>
    %dot_general3A_211 = arith.constant dense<0.000000e+00> : vector<2000x64xf32>
    %dot_general3A_212 = tpu.matmul %add3A_207, %get3A_210, %dot_general3A_211 {dimension_numbers = #tpu.dot_dimension_numbers<[1], [0], [0], [1], [0, 0, 1, 1], [], []>, transpose_lhs_hint = false} : vector<2000x64xf32>, vector<64x64xf32>, vector<2000x64xf32> -> vector<2000x64xf32>
    %get3A_213 = arith.constant 646 : index
    %get3A_214 = arith.constant 0 : index
    %get3A_215 = vector.load %arg7[%get3A_213, %get3A_214] : memref<648x128xf32, #tpu.memory_space<vmem>>, vector<1x64xf32>
    %add3A_216 = vector.broadcast %get3A_215 : vector<1x64xf32> to vector<2000x64xf32>
    %add3A_217 = arith.addf %dot_general3A_212, %add3A_216 : vector<2000x64xf32>
    %max3A_218 = arith.constant 0.000000e+00 : f32
    %max3A_219 = vector.broadcast %max3A_218 : f32 to vector<2000x64xf32>
    %max3A_220 = arith.maximumf %add3A_217, %max3A_219 : vector<2000x64xf32>
    %broadcast_in_dim3A_221 = arith.constant 0.000000e+00 : f32
    %broadcast_in_dim3A_222 = vector.broadcast %broadcast_in_dim3A_221 : f32 to vector<48x64xf32>
    %concatenate3A = tpu.concatenate %max3A_220, %broadcast_in_dim3A_222 in 0 : vector<2000x64xf32>, vector<48x64xf32> -> vector<2048x64xf32>
    %get3A_223 = arith.constant 496 : index
    %get3A_224 = arith.constant 0 : index
    %get3A_225 = vector.load %arg7[%get3A_223, %get3A_224] : memref<648x128xf32, #tpu.memory_space<vmem>>, vector<1x64xf32>
    %dot_general3A_226 = arith.constant dense<0.000000e+00> : vector<1x2048xf32>
    %dot_general3A_227 = tpu.matmul %get3A_225, %concatenate3A, %dot_general3A_226 {dimension_numbers = #tpu.dot_dimension_numbers<[1], [1], [0], [0], [0, 0, 1, 0], [], []>, transpose_lhs_hint = false} : vector<1x64xf32>, vector<2048x64xf32>, vector<1x2048xf32> -> vector<1x2048xf32>
    %get3A_228 = arith.constant 647 : index
    %get3A_229 = arith.constant 0 : index
    %get3A_230 = vector.load %arg7[%get3A_228, %get3A_229] : memref<648x128xf32, #tpu.memory_space<vmem>>, vector<1x1xf32>
    %squeeze3A = vector.extract %get3A_230[0, 0] : f32 from vector<1x1xf32>
    %add3A_231 = vector.broadcast %squeeze3A : f32 to vector<1x2048xf32>
    %add3A_232 = arith.addf %dot_general3A_227, %add3A_231 : vector<1x2048xf32>
    %get3A_233 = arith.constant 504 : index
    %get3A_234 = arith.constant 0 : index
    %get3A_235 = vector.load %arg7[%get3A_233, %get3A_234] : memref<648x128xf32, #tpu.memory_space<vmem>>, vector<64x8xf32>
    %reduce_sum3A_236 = arith.constant dense<0.000000e+00> : vector<64xf32>
    %reduce_sum3A_237 = vector.multi_reduction <add>, %get3A_235, %reduce_sum3A_236 [1] : vector<64x8xf32> to vector<64xf32>
    %broadcast_in_dim3A_238 = vector.shape_cast %reduce_sum3A_237 : vector<64xf32> to vector<64x1xf32>
    %get3A_239 = arith.constant 568 : index
    %get3A_240 = arith.constant 0 : index
    %get3A_241 = vector.load %arg7[%get3A_239, %get3A_240] : memref<648x128xf32, #tpu.memory_space<vmem>>, vector<64x8xf32>
    %reduce_sum3A_242 = arith.constant dense<0.000000e+00> : vector<64xf32>
    %reduce_sum3A_243 = vector.multi_reduction <add>, %get3A_241, %reduce_sum3A_242 [1] : vector<64x8xf32> to vector<64xf32>
    %broadcast_in_dim3A_244 = vector.shape_cast %reduce_sum3A_243 : vector<64xf32> to vector<64x1xf32>
    %add3A_245 = arith.addf %broadcast_in_dim3A_238, %broadcast_in_dim3A_244 : vector<64x1xf32>
    %dot_general3A_246 = arith.constant dense<0.000000e+00> : vector<2000x1xf32>
    %dot_general3A_247 = tpu.matmul %max3A_50, %add3A_245, %dot_general3A_246 {dimension_numbers = #tpu.dot_dimension_numbers<[1], [0], [0], [1], [0, 0, 1, 1], [], []>, transpose_lhs_hint = false} : vector<2000x64xf32>, vector<64x1xf32>, vector<2000x1xf32> -> vector<2000x1xf32>
    %dot_general3A_248 = arith.constant dense<0.000000e+00> : vector<2000x1xf32>
    %dot_general3A_249 = tpu.matmul %max3A_112, %broadcast_in_dim3A_244, %dot_general3A_248 {dimension_numbers = #tpu.dot_dimension_numbers<[1], [0], [0], [1], [0, 0, 1, 1], [], []>, transpose_lhs_hint = false} : vector<2000x64xf32>, vector<64x1xf32>, vector<2000x1xf32> -> vector<2000x1xf32>
    %dot_general3A_250 = arith.constant dense<0.000000e+00> : vector<2000x1xf32>
    %dot_general3A_251 = tpu.matmul %add3A_135, %broadcast_in_dim3A_238, %dot_general3A_250 {dimension_numbers = #tpu.dot_dimension_numbers<[1], [0], [0], [1], [0, 0, 1, 1], [], []>, transpose_lhs_hint = false} : vector<2000x64xf32>, vector<64x1xf32>, vector<2000x1xf32> -> vector<2000x1xf32>
    %add3A_252 = arith.addf %dot_general3A_249, %dot_general3A_251 : vector<2000x1xf32>
    %mul3A_253 = arith.constant 2000 : i32
    %mul3A_254 = arith.muli %arg0, %mul3A_253 : i32
    %swap3A = arith.index_cast %mul3A_254 : i32 to index
    %swap3A_255 = arith.constant 0 : index
    %swap3A_256 = vector.load %arg9[%swap3A, %swap3A_255] : memref<10000x1xf32, #tpu.memory_space<vmem>>, vector<2000x1xf32>
    tpu.vector_store %arg9[%swap3A, %swap3A_255], %dot_general3A_247 {strides = array<i32>} : memref<10000x1xf32, #tpu.memory_space<vmem>>, vector<2000x1xf32>,
    %get3A_257 = arith.constant 0 : index
    %get3A_258 = arith.constant 0 : index
    %get3A_259 = vector.load %arg3[%get3A_257, %get3A_258] : memref<2000x1xf32, #tpu.memory_space<vmem>>, vector<2000x1xf32>
    %add3A_260 = arith.addf %add3A_252, %get3A_259 : vector<2000x1xf32>
    %add3A_261 = arith.constant 1.000000e+00 : f32
    %add3A_262 = vector.broadcast %add3A_261 : f32 to vector<2000x1xf32>
    %add3A_263 = arith.addf %add3A_260, %add3A_262 : vector<2000x1xf32>
    %mul3A_264 = arith.constant 2000 : i32
    %mul3A_265 = arith.muli %arg0, %mul3A_264 : i32
    %swap3A_266 = arith.index_cast %mul3A_265 : i32 to index
    %swap3A_267 = arith.constant 0 : index
    %swap3A_268 = vector.load %arg10[%swap3A_266, %swap3A_267] : memref<10000x1xf32, #tpu.memory_space<vmem>>, vector<2000x1xf32>
    tpu.vector_store %arg10[%swap3A_266, %swap3A_267], %add3A_263 {strides = array<i32>} : memref<10000x1xf32, #tpu.memory_space<vmem>>, vector<2000x1xf32>,
    %ne3A = arith.constant 4 : i32
    %ne3A_269 = arith.cmpi ne, %arg0, %ne3A : i32
    %convert_element_type3A = arith.extui %ne3A_269 : i1 to i32
    %cond3A = arith.constant 0 : i32
    %cond3A_270 = arith.cmpi ne, %convert_element_type3A, %cond3A : i32
    scf.if %cond3A_270 {
      %broadcast_in_dim3A_275 = vector.shape_cast %add3A_232 : vector<1x2048xf32> to vector<1x1x2048xf32>
      %swap3A_276 = arith.constant 0 : index
      %swap3A_277 = arith.constant 0 : index
      %swap3A_278 = arith.constant 0 : index
      %swap3A_279 = vector.load %arg8[%swap3A_276, %swap3A_277, %swap3A_278] : memref<1x1x2048xf32, #tpu.memory_space<vmem>>, vector<1x1x2048xf32>
      tpu.vector_store %arg8[%swap3A_276, %swap3A_277, %swap3A_278], %broadcast_in_dim3A_275 {strides = array<i32>} : memref<1x1x2048xf32, #tpu.memory_space<vmem>>, vector<1x1x2048xf32>,
    } else {
    }
    %eq3A = arith.constant 4 : i32
    %eq3A_271 = arith.cmpi eq, %arg0, %eq3A : i32
    %convert_element_type3A_272 = arith.extui %eq3A_271 : i1 to i32
    %cond3A_273 = arith.constant 0 : i32
    %cond3A_274 = arith.cmpi ne, %convert_element_type3A_272, %cond3A_273 : i32
    scf.if %cond3A_274 {
      %get3A_275 = arith.constant 0 : index
      %get3A_276 = arith.constant 0 : index
      %get3A_277 = vector.load %arg4[%get3A_275, %get3A_276] : memref<32x10000xf32, #tpu.memory_space<vmem>>, vector<32x10000xf32>
      %reduce_sum3A_278 = arith.constant dense<0.000000e+00> : vector<10000xf32>
      %reduce_sum3A_279 = vector.multi_reduction <add>, %get3A_277, %reduce_sum3A_278 [0] : vector<32x10000xf32> to vector<10000xf32>
      %broadcast_in_dim3A_280 = vector.shape_cast %reduce_sum3A_279 : vector<10000xf32> to vector<1x10000xf32>
      %get3A_281 = arith.constant 0 : index
      %get3A_282 = arith.constant 0 : index
      %get3A_283 = vector.load %arg5[%get3A_281, %get3A_282] : memref<32x10000xf32, #tpu.memory_space<vmem>>, vector<32x10000xf32>
      %reduce_sum3A_284 = arith.constant dense<0.000000e+00> : vector<10000xf32>
      %reduce_sum3A_285 = vector.multi_reduction <add>, %get3A_283, %reduce_sum3A_284 [0] : vector<32x10000xf32> to vector<10000xf32>
      %broadcast_in_dim3A_286 = vector.shape_cast %reduce_sum3A_285 : vector<10000xf32> to vector<1x10000xf32>
      %get3A_287 = arith.constant 0 : index
      %get3A_288 = arith.constant 0 : index
      %get3A_289 = vector.load %arg9[%get3A_287, %get3A_288] : memref<10000x1xf32, #tpu.memory_space<vmem>>, vector<10000x1xf32>
      %dot_general3A_290 = arith.constant dense<0.000000e+00> : vector<1x1xf32>
      %dot_general3A_291 = tpu.matmul %broadcast_in_dim3A_280, %get3A_289, %dot_general3A_290 {dimension_numbers = #tpu.dot_dimension_numbers<[1], [0], [0], [1], [0, 0, 1, 1], [], []>, transpose_lhs_hint = false} : vector<1x10000xf32>, vector<10000x1xf32>, vector<1x1xf32> -> vector<1x1xf32>
      %squeeze3A_292 = vector.extract %dot_general3A_291[0, 0] : f32 from vector<1x1xf32>
      %get3A_293 = arith.constant 0 : index
      %get3A_294 = arith.constant 0 : index
      %get3A_295 = vector.load %arg10[%get3A_293, %get3A_294] : memref<10000x1xf32, #tpu.memory_space<vmem>>, vector<10000x1xf32>
      %dot_general3A_296 = arith.constant dense<0.000000e+00> : vector<1x1xf32>
      %dot_general3A_297 = tpu.matmul %broadcast_in_dim3A_286, %get3A_295, %dot_general3A_296 {dimension_numbers = #tpu.dot_dimension_numbers<[1], [0], [0], [1], [0, 0, 1, 1], [], []>, transpose_lhs_hint = false} : vector<1x10000xf32>, vector<10000x1xf32>, vector<1x1xf32> -> vector<1x1xf32>
      %squeeze3A_298 = vector.extract %dot_general3A_297[0, 0] : f32 from vector<1x1xf32>
      %add3A_299 = arith.addf %squeeze3A_292, %squeeze3A_298 : f32
      %mul3A_300 = arith.constant 0.000000e+00 : f32
      %mul3A_301 = arith.mulf %mul3A_300, %add3A_299 : f32
      %add3A_302 = vector.broadcast %mul3A_301 : f32 to vector<1x2048xf32>
      %add3A_303 = arith.addf %add3A_232, %add3A_302 : vector<1x2048xf32>
      %broadcast_in_dim3A_304 = vector.shape_cast %add3A_303 : vector<1x2048xf32> to vector<1x1x2048xf32>
      %swap3A_305 = arith.constant 0 : index
      %swap3A_306 = arith.constant 0 : index
      %swap3A_307 = arith.constant 0 : index
      %swap3A_308 = vector.load %arg8[%swap3A_305, %swap3A_306, %swap3A_307] : memref<1x1x2048xf32, #tpu.memory_space<vmem>>, vector<1x1x2048xf32>
      tpu.vector_store %arg8[%swap3A_305, %swap3A_306, %swap3A_307], %broadcast_in_dim3A_304 {strides = array<i32>} : memref<1x1x2048xf32, #tpu.memory_space<vmem>>, vector<1x1x2048xf32>,
    } else {
    }
    return
  }
  func.func @transform_0(%arg0: i32) -> (i32, i32) {
    %c0_i32 = arith.constant 0 : i32
    %c0_i32_0 = arith.constant 0 : i32
    return %arg0, %c0_i32 : i32, i32
  }
  func.func @transform_1(%arg0: i32) -> (i32, i32) {
    %c0_i32 = arith.constant 0 : i32
    %c0_i32_0 = arith.constant 0 : i32
    return %arg0, %c0_i32 : i32, i32
  }
  func.func @transform_2(%arg0: i32) -> (i32, i32) {
    %c0_i32 = arith.constant 0 : i32
    %c0_i32_0 = arith.constant 0 : i32
    return %arg0, %c0_i32 : i32, i32
  }
  func.func @transform_3(%arg0: i32) -> (i32, i32) {
    %c0_i32 = arith.constant 0 : i32
    %c0_i32_0 = arith.constant 0 : i32
    %c0_i32_1 = arith.constant 0 : i32
    return %c0_i32, %c0_i32_0 : i32, i32
  }
  func.func @transform_4(%arg0: i32) -> (i32, i32) {
    %c0_i32 = arith.constant 0 : i32
    %c0_i32_0 = arith.constant 0 : i32
    %c0_i32_1 = arith.constant 0 : i32
    return %c0_i32, %c0_i32_0 : i32, i32
  }
  func.func @transform_5(%arg0: i32) -> (i32, i32) {
    %c0_i32 = arith.constant 0 : i32
    %c0_i32_0 = arith.constant 0 : i32
    %c0_i32_1 = arith.constant 0 : i32
    return %c0_i32, %c0_i32_0 : i32, i32
  }
  func.func @transform_6(%arg0: i32) -> (i32, i32) {
    %c0_i32 = arith.constant 0 : i32
    %c0_i32_0 = arith.constant 0 : i32
    %c0_i32_1 = arith.constant 0 : i32
    return %c0_i32, %c0_i32_0 : i32, i32
  }
  func.func @transform_7(%arg0: i32) -> (i32, i32, i32) {
    %c0_i32 = arith.constant 0 : i32
    %c0_i32_0 = arith.constant 0 : i32
    %c0_i32_1 = arith.constant 0 : i32
    return %arg0, %c0_i32, %c0_i32_0 : i32, i32, i32
  }
}

</mosaic_0001>

<sc_bundles>
// kernel: kernel.4.cloned.1.call-start
scs
__scs_entry_jumppad:
0x0: {  	(pc) =	sbr.rel $0x88, $3  }
0x1: {  	(tag) =	ssettag $0x0;
	lr =	simm.s32 $0x1  }
0x2: {  	[smem:$0x3F81] =	sst lr;
	_ =	strace $0xD0000000  }
0x3: {  	_ = 	snop  }
0x4: {  	_ = 	snop  }
0x5: {  	_ = 	snop  }
0x6: {  	_ = 	snop  }
0x7: {  	_ = 	snop  }
__scs_overlays_trampoline_lowered:
0x8: {  	[smem:$0x3F90] =	sst s0  }
0x9: {  	[smem:$0x3F91] =	sst s1  }
0xa: {  	[smem:$0x3F92] =	sst s2  }
0xb: {  	[smem:$0x3F93] =	sst s3  }
0xc: {  	[smem:$0x3F94] =	sst s4  }
0xd: {  	[smem:$0x3F95] =	sst s5  }
0xe: {  	[smem:$0x3F96] =	sst s6  }
0xf: {  	[smem:$0x3F97] =	sst s7  }
0x10: {  	[smem:$0x3F98] =	sst s8  }
0x11: {  	[smem:$0x3F99] =	sst s9;
	s0 =	simm.s32 @!p0 $0x0  }
0x12: {  	s1 =	sld [smem:$0x3F7F];
	s0 =	simm.s32 @p0 $0x1  }
0x13: {  	[smem:$0x3F9A] =	sst s0;
	s0 =	simm.s32 @!p1 $0x0  }
0x14: {  	s2 =	sld [smem:$0x3F7E];
	s0 =	simm.s32 @p1 $0x1  }
0x15: {  	[smem:$0x3F9B] =	sst s0;
	s0 =	simm.s32 @!p2 $0x0  }
0x16: {  	s3 =	sld [smem:$0x3FDB];
	s0 =	simm.s32 @p2 $0x1  }
0x17: {  	s4 =	simm.s32 $0x1BF5;
	[smem:$0x3F9D] =	sst s0  }
0x18: {  	s0 =	sld [smem:$0x3F80];
	_ =	swait.ge [sflag:s4], $0x0  }
0x19: {  	s7 =	sld [smem:$0x3F81]  }
0x1a: {  	s8 =	sadd.s32 $0xFFFFE003, lr  }
0x1b: {  	s9 =	sadd.s32 $0xFFFFFEF7, lr;
	s5 =	simm.s32 $0xFFFFFFFF;
	p2 =	slt.u32 s8, $0xFFFFF086  }
0x1c: {  	p1 =	slt.u32 s9, $0xF7A;
	s5 =	simm.s32 @!p2 $0x0  }
0x1d: {  	s5 =	simm.s32 @p1 $0x1;
	p0 =	seq.s32 s7, s2  }
0x1e: {  	s7 =	smul.u32 @!p0 $0xF7A, s2;
	p2 =	seq.s32 @!p0 s5, $0x0  }
0x1f: {  	s9 =	smul.u32 $0xF7A, s1;
	s8 =	simm.s32 @!p0 $0x1BF5;
	p2 =	por !p2, p0  }
0x20: {  	[sflag:s8] =	ssyncset.s32 @!p0 $0xFFFFF086;
	s6 =	sadd.s32 @!p0 s3, s7;
	s7 =	simm.s32 @!p0 $0x108  }
0x21: {  	s3 =	sadd.s32 s3, s9;
	s6 =	sadd.s32 @!p0 $0x88, s6;
	s7 =	simm.s32 @p2 $0x1082  }
0x22: {  	[simem:s7], [sflag:s8] =	dma.local @!p0 [hbm:s6], $0xF7A  }
0x23: {  	s9 =	sor.u32 $0xD0000000, s2;
	s6 =	simm.s32 $0x108;
	_ =	swait.ge @!p0 [sflag:s8], $0x0  }
0x24: {  	s3 =	sadd.s32 $0x88, s3;
	s6 =	simm.s32 @!p1 $0x1082;
	[sflag:s4] =	ssyncset.s32 $0xFFFFF086  }
0x25: {  	[simem:s6], [sflag:s4] =	dma.local [hbm:s3], $0xF7A  }
0x26: {  	[smem:$0x3F81] =	sst s1;
	(tag) =	ssettag s2;
	_ =	strace s9  }
0x27: {  	s1 =	sld [smem:$0x3F91]  }
0x28: {  	s2 =	sld [smem:$0x3F92]  }
0x29: {  	s4 =	sld [smem:$0x3F94]  }
0x2a: {  	p0 =	seq.s32 s5, $0x0;
	s5 =	sld [smem:$0x3F95]  }
0x2b: {  	s6 =	sld [smem:$0x3F96]  }
0x2c: {  	s7 =	sld [smem:$0x3F97]  }
0x2d: {  	s3 =	simm.s32 $0x108;
	s8 =	sld [smem:$0x3F98]  }
0x2e: {  	s3 =	simm.s32 @!p0 $0x1082;
	s9 =	sld [smem:$0x3F99]  }
0x2f: {  	lr =	sadd.s32 s0, s3;
	s0 =	sld [smem:$0x3F90]  }
0x30: {  	s3 =	sld [smem:$0x3F93]  }
0x31: {  	[smem:$0x3F9C] =	sst s10  }
0x32: {  	s10 =	sld [smem:$0x3F9A];
	_ =	sdelay $0x3  }
0x33: {  	p0 =	seq.s32 s10, $0x1;
	s10 =	sld [smem:$0x3F9C];
	_ =	sdelay $0x3  }
0x34: {  	[smem:$0x3F9C] =	sst s10  }
0x35: {  	s10 =	sld [smem:$0x3F9B];
	_ =	sdelay $0x3  }
0x36: {  	p1 =	seq.s32 s10, $0x1;
	s10 =	sld [smem:$0x3F9C];
	_ =	sdelay $0x3  }
0x37: {  	[smem:$0x3F9C] =	sst s10  }
0x38: {  	s10 =	sld [smem:$0x3F9D]  }
0x39: {  	_ = 	snop;
	(pc) =	sbr.ind lr, $3  }
0x3a: {  	_ = 	snop  }
0x3b: {  	_ = 	snop  }
0x3c: {  	p2 =	seq.s32 s10, $0x1;
	s10 =	sld [smem:$0x3F9C]  }
0x3d: {  	_ =	shalt  }
0x3e: {  	_ =	shalt  }
0x3f: {  	_ =	shalt  }
0x40: {  	_ =	shalt  }
0x41: {  	_ =	shalt  }
0x42: {  	_ =	shalt  }
0x43: {  	_ =	shalt  }
0x44: {  	_ =	shalt  }
0x45: {  	_ =	shalt  }
0x46: {  	_ =	shalt  }
0x47: {  	_ =	shalt  }
0x48: {  	_ =	shalt  }
0x49: {  	_ =	shalt  }
0x4a: {  	_ =	shalt  }
0x4b: {  	_ =	shalt  }
0x4c: {  	_ =	shalt  }
0x4d: {  	_ =	shalt  }
0x4e: {  	_ =	shalt  }
0x4f: {  	_ =	shalt  }
0x50: {  	_ =	shalt  }
0x51: {  	_ =	shalt  }
0x52: {  	_ =	shalt  }
0x53: {  	_ =	shalt  }
0x54: {  	_ =	shalt  }
0x55: {  	_ =	shalt  }
0x56: {  	_ =	shalt  }
0x57: {  	_ =	shalt  }
0x58: {  	_ =	shalt  }
0x59: {  	_ =	shalt  }
0x5a: {  	_ =	shalt  }
0x5b: {  	_ =	shalt  }
0x5c: {  	_ =	shalt  }
0x5d: {  	_ =	shalt  }
0x5e: {  	_ =	shalt  }
0x5f: {  	_ =	shalt  }
0x60: {  	_ =	shalt  }
0x61: {  	_ =	shalt  }
0x62: {  	_ =	shalt  }
0x63: {  	_ =	shalt  }
0x64: {  	_ =	shalt  }
0x65: {  	_ =	shalt  }
0x66: {  	_ =	shalt  }
0x67: {  	_ =	shalt  }
0x68: {  	_ =	shalt  }
0x69: {  	_ =	shalt  }
0x6a: {  	_ =	shalt  }
0x6b: {  	_ =	shalt  }
0x6c: {  	_ =	shalt  }
0x6d: {  	_ =	shalt  }
0x6e: {  	_ =	shalt  }
0x6f: {  	_ =	shalt  }
0x70: {  	_ =	shalt  }
0x71: {  	_ =	shalt  }
0x72: {  	_ =	shalt  }
0x73: {  	_ =	shalt  }
0x74: {  	_ =	shalt  }
0x75: {  	_ =	shalt  }
0x76: {  	_ =	shalt  }
0x77: {  	_ =	shalt  }
0x78: {  	_ =	shalt  }
0x79: {  	_ =	shalt  }
0x7a: {  	_ =	shalt  }
0x7b: {  	_ =	shalt  }
0x7c: {  	_ =	shalt  }
0x7d: {  	_ =	shalt  }
0x7e: {  	_ =	shalt  }
0x7f: {  	_ =	shalt  }
0x80: {  	_ =	shalt  }
0x81: {  	_ =	shalt  }
0x82: {  	_ =	shalt  }
0x83: {  	_ =	shalt  }
0x84: {  	_ =	shalt  }
0x85: {  	_ =	shalt  }
0x86: {  	_ =	shalt  }
0x87: {  	_ =	shalt  }
.Lfunc_end0:
.L_simem_size_0:
called_computation_lowered:
.L_overlay_start_0:
0x88: {  	s2 =	sld [smem:$0x3FD9]  }
0x89: {  	s3 =	sld [smem:$0x3FFE];
	_ =	sdelay $0x1  }
0x8a: {  	s1 =	srdreg.scid  }
0x8b: {  	s0 =	sand.u32 $0x1, s1  }
0x8c: {  	s16 =	sshll.u32 s0, $0xA;
	s2 =	sadd.s32 s3, s2  }
0x8d: {  	s2 =	sadd.s32 s2, s16  }
0x8e: {  	[smem:$0x3FA8] =	sst s2  }
0x8f: {  	_ = 	snop  }
0x90: {  	(tm) =	ssettm $0x1  }
0x91: {  	s17 =	sld [smem:$0x3FFB];
	_ =	sdelay $0x3  }
0x92: {  	_ =	strace s17  }
0x93: {  	s2 =	sld [smem:$0x3FFC];
	_ =	sdelay $0x3  }
0x94: {  	_ =	strace s2  }
0x95: {  	s2 =	sld [smem:$0x3FFD];
	_ =	sdelay $0x3  }
0x96: {  	_ =	strace s2  }
0x97: {  	_ =	strace $0x8FFFFFFF  }
0x98: {  	s18 =	sld [smem:$0x3FDB];
	_ =	sdelay $0x1  }
0x99: {  	s19 =	simm.s32 $_scs_section_size  }
0x9a: {  	s4 =	simm.s32 $_size__tile_overlayer_lowered;
	s5 =	simm.s32 $_tile_overlayer_lowered  }
0x9b: {  	s22 =	simm.s32 $0x1BFF;
	s21 =	sshll.u32 s5, $0x1;
	s2 =	sadd.s32 s19, s18  }
0x9c: {  	s6 =	simm.s32 $0x0;
	s20 =	sshll.u32 s4, $0x1;
	s4 =	sadd.s32 s21, s2  }
0x9d: {  	[timem:s6], [sflag:s22] =	dma.local [hbm:s4], s20  }
0x9e: {  	_ =	swait.ge [sflag:s22], s20  }
0x9f: {  	s3 =	ssub.s32 $0x0, s20;
	[sflag:s22] =	ssyncset.done $0x0  }
0xa0: {  	[sflag:s22] =	ssyncadd.s32 s3;
	_ =	sdelay $0x1  }
0xa1: {  	s23 =	simm.s32 $0x1B8B  }
0xa2: {  	_ =	swait.ge [sflag:s23], $0x1  }
0xa3: {  	[sflag:s23] =	ssyncset.done $0x0  }
0xa4: {  	s25 =	simm.s32 $0x1B8E;
	s24 =	sld [smem:$0x3FFE];
	[sflag:s23] =	ssyncadd.s32 $0xFFFFFFFF  }
0xa5: {  	s26 =	simm.s32 $execute0_lowered;
	[smem:$0x3FD2] =	sst s25  }
0xa6: {  	s4 =	sshll.u32 s26, $0x1;
	_ =	strace $0x80000046;
	[dreg:$0x1] =	wrdreg $0xFFFFFFFF  }
0xa7: {  	s28 =	simm.s32 $_size_execute0_lowered;
	s2 =	sadd.s32 s2, s4;
	[dreg:$0x0] =	wrdreg $0x0  }
0xa8: {  	s4 =	sshll.u32 s28, $0x1;
	[dreg:$0x2] =	wrdreg s2  }
0xa9: {  	[dreg:$0x3] =	wrdreg s4  }
0xaa: {  	[dreg:$0x4] =	wrdreg $0xC0  }
0xab: {  	_ =	task [dreg:s6], $0x5FFFF  }
0xac: {  	[dreg:$0x1] =	wrdreg $0xFFFFFFFF  }
0xad: {  	[dreg:$0x0] =	wrdreg $0x60  }
0xae: {  	[dreg:$0x2] =	wrdreg s24  }
0xaf: {  	[dreg:$0x3] =	wrdreg $0x9  }
0xb0: {  	_ =	task.clear_ibuf [dreg:s6], $0x4FFFF;
	_ =	strace $0x90000046  }
0xb1: {  	s29 =	simm.s32 $0x9;
	_ =	strace $0x80000048  }
0xb2: {  	_ =	swait.ge [sflag:s29], $0x1  }
0xb3: {  	[sflag:s29] =	ssyncadd.s32 $0xFFFFFFFF  }
0xb4: {  	_ =	strace $0x90000048  }
0xb5: {  	_ =	sfence  }
0xb6: {  	s30 =	sld [smem:$0x0];
	_ =	sdelay $0x2  }
0xb7: {  	s31 =	sshll.u32 s1, $0xD;
	s1 =	sshrl.u32 s1, $0x2  }
0xb8: {  	s3 =	sand.u32 $0x4000, s31;
	s1 =	sadd.s32 s1, s30  }
0xb9: {  	s0 =	sor.u32 s3, s0;
	s1 =	sshll.u32 s1, $0x11  }
0xba: {  	s0 =	sor.u32 s1, s0  }
0xbb: {  	s0 =	sadd.s32 $0x8F2B, s0  }
0xbc: {  	[sflag:s0] =	ssyncadd.remote.s32 $0x1  }
0xbd: {  	_ =	sfence.sel $0xFFFF  }
0xbe: {  	[dreg:$0x0] =	wrdreg $0xFFFFFFFF;
	(pc) =	sbr.abs _section_cstart, $3  }
0xbf: {  	[dreg:$0x1] =	wrdreg $0xFFFFFFFF  }
0xc0: {  	_ =	task.clear_ibuf [dreg:s6], $0x2FFFF;
	_ =	strace $0x9FFFFFFF  }
0xc1: {  	(tm) =	ssettm $0x7FFFFFFF  }
tec
execute0_lowered:
.L_overlay_start_1:
0x0: {  	(tag) =	ssettag $0x1  }
0x1: {  	s1 =	srdreg.scid  }
0x2: {  	s0 =	stileid.u32;
	s3 =	rddreg [dreg:$0x0]  }
0x3: {  	s9 =	simm.s32 $0x2780;
	s10 =	simm.s32 $0x4F00;
	s11 =	simm.s32 $0x80  }
0x4: {  	s12 =	simm.s32 $0x400;
	s4 =	sand.u32 $0x1, s1;
	s2 =	sshll.u32 s0, $0x1  }
0x5: {  	s1 =	rddreg [dreg:$0x1];
	s7 =	sshrl.u32 s0, $0x2;
	s5 =	sor.u32 s4, s2  }
0x6: {  	s2 =	simm.s32 $0x0;
	s7 =	smul.u32 $0x13C00, s7;
	s4 =	ssub.s32 $0x2, s4  }
0x7: {  	s6 =	smul.u32 $0x2710, s5;
	[smem:$0x7FF] =	sst s2;
	s5 =	sshll.u32 s5, $0x7  }
0x8: {  	s31 =	sshrl.u32 s4, $0x1;
	_ =	strace $0x80000047;
	s5 =	sand.u32 $0x380, s5  }
0x9: {  	s6 =	sshrl.u32 s6, $0x3;
	s5 =	sor.u32 s7, s5;
	s7 =	ssub.s32 s4, s31  }
0xa: {  	s6 =	sadd.s32 s6, s3;
	s5 =	sshrl.u32 s5, $0x3;
	s7 =	smax.u32 s7, $0x1  }
0xb: {  	s8 =	sadd.s32 s5, s3;
	s3 =	sadd.s32 $0x5400, s6;
	s4 =	sadd.s32 $0xF040, s6  }
0xc: {  	v0 =	vimm.f32 $0.0e+00;
	v1 =	vimm.f32 $1.000000000e+00;
	s5 =	sadd.s32 $0x18E00, s8;
	s6 =	sadd.s32 $0x22C00, s8;
	s8 =	simm.s32 $0x1  }
.LBB2_1:
0xd: {  	s13 =	simm.s32 $0x0  }
.LBB2_2:
0xe: {  	p0 =	sne.s32 s13, $0x9C00  }
.Ltmp0:
0xf: {  	_ = 	snop;
	(pc) =	sbr.rel @p0 .LBB2_2-.Ltmp0, $3  }
0x10: {  	_ =	sdelay $0x1  }
0x11: {  	s14 =	sshra.s32 s13, $0x2  }
0x12: {  	s13 =	sadd.s32 $0x40, s13;
	[tilespmem:s14+$0x2780] =	vst v0  }
0x13: {  	s13 =	simm.s32 $0x40;
	s14 =	simm.s32 $0x0  }
.LBB2_4:
0x14: {  	p0 =	sne.s32 s13, $0x9C00;
	[tilespmem:s14+$0x4F00] =	vst v0;
	s14 =	smov.u32 s13;
	s13 =	sadd.s32 $0x40, s13  }
.Ltmp1:
0x15: {  	(pc) =	sbr.rel @p0 .LBB2_4-.Ltmp1, $2  }
0x16: {  	_ =	sdelay $0x2  }
0x17: {  	s14 =	sshra.s32 s14, $0x2  }
0x18: {  	[tilespmem:s14+$0x4F00] =	vst v0;
	s13 =	simm.s32 $0x0  }
0x19: {  	[tilespmem:s13], [sflag:$0x1] =	stream.linear.gather [hbm4b:s3+s13], $0x2710, $0x38;
	[tilespmem:$0x7680] =	vst v63  }
0x1a: {  	_ =	swait.ge [sflag:s8], $0x2710  }
0x1b: {  	[sflag:s8] =	ssyncset.done $0x0  }
0x1c: {  	s14 =	simm.s32 $0x0;
	s13 =	simm.s32 $0x40;
	[sflag:s8] =	ssyncadd.s32 $0xFFFFD8F0  }
.LBB2_6:
0x1d: {  	p0 =	sne.s32 s13, $0x9C00;
	v2 =	vld [tilespmem:s14+$0x0];
	_ =	sdelay $0x3  }
.Ltmp2:
0x1e: {  	(pc) =	sbr.rel @p0 .LBB2_6-.Ltmp2, $2  }
0x1f: {  	_ =	sdelay $0x2  }
0x20: {  	s14 =	sshra.s32 s13, $0x2;
	s13 =	sadd.s32 $0x40, s13;
	[tilespmem:v2+s9+$0x0] =	vst.idx.add.f32.msk $0xffff, v1  }
0x21: {  	v2 =	vld [tilespmem:s14+$0x0];
	_ =	sdelay $0x7  }
0x22: {  	s13 =	simm.s32 $0x0;
	[tilespmem:v2+s9+$0x0] =	vst.idx.add.f32.msk $0xffff, v1  }
0x23: {  	[tilespmem:s13], [sflag:$0x1] =	stream.linear.gather [hbm4b:s4+s13], $0x2710, $0x38;
	[tilespmem:$0x7680] =	vst v63  }
0x24: {  	_ =	swait.ge [sflag:s8], $0x2710  }
0x25: {  	[sflag:s8] =	ssyncset.done $0x0  }
0x26: {  	s14 =	simm.s32 $0x0;
	s13 =	simm.s32 $0x40;
	[sflag:s8] =	ssyncadd.s32 $0xFFFFD8F0  }
.LBB2_8:
0x27: {  	p0 =	sne.s32 s13, $0x9C00;
	v2 =	vld [tilespmem:s14+$0x0];
	_ =	sdelay $0x3  }
.Ltmp3:
0x28: {  	(pc) =	sbr.rel @p0 .LBB2_8-.Ltmp3, $2  }
0x29: {  	_ =	sdelay $0x2  }
0x2a: {  	s14 =	sshra.s32 s13, $0x2;
	s13 =	sadd.s32 $0x40, s13;
	[tilespmem:v2+s10+$0x0] =	vst.idx.add.f32.msk $0xffff, v1  }
0x2b: {  	v2 =	vld [tilespmem:s14+$0x0];
	_ =	sdelay $0x7  }
0x2c: {  	[tilespmem:v2+s10+$0x0] =	vst.idx.add.f32.msk $0xffff, v1  }
0x2d: {  	[hbm4b:s5+s11] =	stream.strided.scatter [tilespmem:s9], [sflag:$0x1], $0x2780, s12, s11, $0x38;
	[tilespmem:$0x7680] =	vst v63  }
0x2e: {  	s2 =	sadd.s32 $0x1, s2;
	_ =	swait.ge [sflag:s8], $0x2780  }
0x2f: {  	p0 =	sne.s32 s2, s7;
	[sflag:s8] =	ssyncset.done $0x0  }
.Ltmp4:
0x30: {  	[sflag:s8] =	ssyncadd.s32 $0xFFFFD880;
	(pc) =	sbr.rel @p0 .LBB2_1-.Ltmp4, $4  }
0x31: {  	[hbm4b:s6+s11] =	stream.strided.scatter [tilespmem:s10], [sflag:$0x1], $0x2780, s12, s11, $0x38;
	[tilespmem:$0x7680] =	vst v63  }
0x32: {  	_ =	swait.ge [sflag:s8], $0x2780  }
0x33: {  	[sflag:s8] =	ssyncset.done $0x0  }
0x34: {  	[sflag:s8] =	ssyncadd.s32 $0xFFFFD880  }
0x35: {  	_ =	sfence.sel $0x180000  }
0x36: {  	[bflag:$0x0] =	sbarrier.arrive $0xFFFF  }
0x37: {  	p0 =	sne.s32 s0, $0x0;
	_ =	strace $0x90000047  }
0x38: {  	s0 =	sadd.s32 @!p0 $0x100000, s1;
	[bflag:$0x2] =	sbarrier.arrive $0xFFFF  }
0x39: {  	[sflag:s0] =	ssyncadd.tile.s32 @!p0 $0x1;
	_ =	shalt  }
.Lfunc_end2:
_tile_overlayer_lowered:
.L_overlay_start_2:
0x3a: {  	(tag) =	ssettag $0x2  }
0x3b: {  	s0 =	rddreg [dreg:$0x0];
	s2 =	stileid.u32  }
0x3c: {  	s1 =	rddreg [dreg:$0x1];
	p0 =	sne.s32 s2, $0x0  }
0x3d: {  	s3 =	rddreg [dreg:$0x2];
	[bflag:$0x3] =	sbarrier.arrive $0xFFFF;
	s2 =	simm.s32 @!p0 $0x1C01  }
0x3e: {  	[timem:s3], [sflag:s2] =	dma.local @!p0 [hbm:s0], s1  }
0x3f: {  	s0 =	simm.s32 @!p0 $0x1  }
0x40: {  	_ =	swait.ge @!p0 [sflag:s0], s1  }
0x41: {  	s1 =	ssub.s32 @!p0 $0x0, s1;
	[sflag:s0] =	ssyncset.done @!p0 $0x0  }
0x42: {  	[sflag:s0] =	ssyncadd.s32 @!p0 s1  }
0x43: {  	[bflag:$0x3] =	sbarrier.arrive $0xFFFF  }
0x44: {  	_ =	shalt  }

</sc_bundles>
